<compile_context>
chip_gen: v7x
topology: tpu7x:2x2x1
jax: 0.10.2.dev20260603
libtpu: 0.0.44.dev20260713+nightly
codegen_flags: <defaults>
</compile_context>

<pallas_src>
import functools

import jax
import jax.numpy as jnp
from jax import lax
from jax.experimental import pallas as pl
from jax.experimental.pallas import tpu as pltpu
from jax.experimental.pallas import tpu_sc as plsc

_PACK_BR = 4000

_NC = 2
_NS = 16
_NW = _NC * _NS

_GW = 128


def _sc_gather(o_idx, s_idx, r_idx, E2, R2, *, B, NEG, D2):
    BW = B // _NW
    CH = (BW * NEG) // _GW

    mesh = plsc.VectorSubcoreMesh(core_axis_name="c", subcore_axis_name="s")

    K = 2
    SLAB = K * _GW
    NSLAB = CH // K

    @functools.partial(
        pl.kernel,
        out_type=[
            jax.ShapeDtypeStruct((B * NEG, D2), jnp.float32),
            jax.ShapeDtypeStruct((B, D2), jnp.float32),
            jax.ShapeDtypeStruct((B, D2), jnp.float32),
        ],
        mesh=mesh,
        scratch_types=[
            pltpu.VMEM((CH, _GW), jnp.int32),
            pltpu.VMEM((BW,), jnp.int32),
            pltpu.VMEM((BW,), jnp.int32),
            pltpu.VMEM((SLAB, D2), jnp.float32),
            pltpu.VMEM((SLAB, D2), jnp.float32),
            pltpu.VMEM((BW, D2), jnp.float32),
            pltpu.VMEM((BW, D2), jnp.float32),
            pltpu.SemaphoreType.DMA,
            pltpu.SemaphoreType.DMA,
            pltpu.SemaphoreType.DMA,
            pltpu.SemaphoreType.DMA,
            pltpu.SemaphoreType.DMA,
        ],
    )
    def sc_kernel(oidx_hbm, sidx_hbm, ridx_hbm, E_hbm, R_hbm,
                  oE_hbm, sE_hbm, rE_hbm,
                  oidx_v, sidx_v, ridx_v, slab0, slab1, srows_v, rrows_v,
                  semg0, semg1, semw0, semw1, semsr):
        wid = lax.axis_index("s") * _NC + lax.axis_index("c")
        base = wid * BW * NEG

        pltpu.sync_copy(sidx_hbm.at[wid], sidx_v)
        pltpu.sync_copy(ridx_hbm.at[wid], ridx_v)
        pltpu.sync_copy(oidx_hbm.at[wid], oidx_v)

        pltpu.async_copy(E_hbm.at[sidx_v], srows_v, semsr)
        pltpu.async_copy(R_hbm.at[ridx_v], rrows_v, semsr)

        slabs = (slab0, slab1)
        gsems = (semg0, semg1)
        wsems = (semw0, semw1)

        def fire(p, step):
            for t in range(K):
                pltpu.async_copy(
                    E_hbm.at[oidx_v.at[step * K + t]],
                    slabs[p].at[pl.ds(t * _GW, _GW)], gsems[p])

        def drain_gathers(p):
            for t in range(K):
                pltpu.make_async_copy(
                    E_hbm.at[oidx_v.at[t]],
                    slabs[p].at[pl.ds(t * _GW, _GW)], gsems[p]).wait()

        def start_wb(p, step):
            pltpu.async_copy(
                slabs[p], oE_hbm.at[pl.ds(base + step * SLAB, SLAB)], wsems[p])

        def drain_wb(p):
            pltpu.make_async_copy(
                slabs[p], oE_hbm.at[pl.ds(base, SLAB)], wsems[p]).wait()

        fire(0, 0)

        @pl.loop(0, NSLAB, step=2)
        def _(n):
            @pl.when(n > 0)
            def _():
                drain_wb(1)
            fire(1, n + 1)
            drain_gathers(0)
            start_wb(0, n)
            drain_gathers(1)
            start_wb(1, n + 1)

            @pl.when(n + 2 < NSLAB)
            def _():
                drain_wb(0)
                fire(0, n + 2)

        drain_wb(0)
        drain_wb(1)

        pltpu.make_async_copy(E_hbm.at[sidx_v], srows_v, semsr).wait()
        pltpu.make_async_copy(R_hbm.at[ridx_v], rrows_v, semsr).wait()
        pltpu.sync_copy(srows_v, sE_hbm.at[pl.ds(wid * BW, BW)])
        pltpu.sync_copy(rrows_v, rE_hbm.at[pl.ds(wid * BW, BW)])

    return sc_kernel(o_idx, s_idx, r_idx, E2, R2)


def _tc_pack(E, *, D):
    N = E.shape[0]
    H = N // 2
    BR = _PACK_BR
    nblk = H // BR
    G = 2 * BR // 16

    E3 = E.reshape(N // 16, 16, D)

    def body(x_ref, o_ref):
        x = x_ref[...].reshape(2 * BR, D)
        o_ref[:, :D] = x[:BR, :]
        o_ref[:, D:] = x[BR:, :]

    return pl.pallas_call(
        body,
        grid=(nblk,),
        in_specs=[pl.BlockSpec((G, 16, D), lambda i: (i, 0, 0))],
        out_specs=pl.BlockSpec((BR, 2 * D), lambda i: (i, 0)),
        out_shape=jax.ShapeDtypeStruct((H, 2 * D), jnp.float32),
    )(E3)


def _tc_reduce(sE, rE, oE3, sp, rp, op3, *, B, NEG, D, D2):
    BB = 128

    def body(s_ref, r_ref, sp_ref, rp_ref, op_ref, o_ref, out_ref):
        s_pair = s_ref[...]
        r_pair = r_ref[...]
        s_half = jnp.where(sp_ref[...] == 1, s_pair[:, D:], s_pair[:, :D])
        r_half = jnp.where(rp_ref[...] == 1, r_pair[:, D:], r_pair[:, :D])
        q = s_half * r_half
        q2 = jnp.concatenate([q, q], axis=-1)
        prod = o_ref[...] * q2[:, None, :]
        lane = lax.broadcasted_iota(jnp.int32, (BB, NEG, D2), 2)
        keep = (lane >= D) == (op_ref[...][:, :, None] == 1)
        out_ref[...] = jnp.sum(jnp.where(keep, prod, 0.0), axis=-1)

    return pl.pallas_call(
        body,
        grid=(B // BB,),
        in_specs=[
            pl.BlockSpec((BB, D2), lambda i: (i, 0)),
            pl.BlockSpec((BB, D2), lambda i: (i, 0)),
            pl.BlockSpec((BB, 1), lambda i: (i, 0)),
            pl.BlockSpec((BB, 1), lambda i: (i, 0)),
            pl.BlockSpec((BB, NEG), lambda i: (i, 0)),
            pl.BlockSpec((BB, NEG, D2), lambda i: (i, 0, 0)),
        ],
        out_specs=pl.BlockSpec((BB, NEG), lambda i: (i, 0)),
        out_shape=jax.ShapeDtypeStruct((B, NEG), jnp.float32),
    )(sE, rE, sp, rp, op3, oE3)


def kernel(s, r, o, E, R):
    B, NEG = o.shape
    D = E.shape[1]
    D2 = 2 * D

    E2 = _tc_pack(E, D=D)
    R2 = R.reshape(R.shape[0] // 2, D2)

    H = E.shape[0] // 2
    o32 = o.astype(jnp.int32)
    s32 = s.astype(jnp.int32).reshape(B, 1)
    r32 = r.astype(jnp.int32).reshape(B, 1)

    BR = _PACK_BR
    o_g, o_j = o32 // (2 * BR), o32 % (2 * BR)
    s_g, s_j = s32 // (2 * BR), s32 % (2 * BR)
    o_par = (o_j >= BR).astype(jnp.int32)
    s_par = (s_j >= BR).astype(jnp.int32)
    o_idx = (o_g * BR + o_j - BR * o_par).reshape(
        _NW, (B * NEG) // (_NW * _GW), _GW)
    s_idx = (s_g * BR + s_j - BR * s_par).reshape(_NW, B // _NW)
    r_idx = (r32 >> 1).reshape(_NW, B // _NW)

    oE, sE, rE = _sc_gather(o_idx, s_idx, r_idx, E2, R2, B=B, NEG=NEG, D2=D2)
    return _tc_reduce(sE, rE, oE.reshape(B, NEG, D2),
                      s_par, r32 & 1, o_par, B=B, NEG=NEG, D=D, D2=D2)

# --- scband reference (transcript-rebuilt; emitter-appended) ---
"""Pipeline reference for scband-distmult-69002944577712 (READ-ONLY COPY).

The authoritative reference and input builder live on the scoring server;
editing this copy changes nothing except your own understanding.
"""

import jax, jax.numpy as jnp
import numpy as np

ENTITY_COUNT = 1000000
RELATION_COUNT = 1000
DIM = 64
BATCH = 4096
NEG = 64


def setup_inputs(seed: int = 0) -> dict:
    key = jax.random.key(seed)
    k1, k2, k3, k4, k5 = jax.random.split(key, 5)
    E = jax.random.normal(k1, (ENTITY_COUNT, DIM), dtype=jnp.float32) * 0.05
    R = jax.random.normal(k2, (RELATION_COUNT, DIM), dtype=jnp.float32) * 0.05
    s = jax.random.randint(k3, (BATCH, 1), 0, ENTITY_COUNT, dtype=jnp.int64 if jax.config.read('jax_enable_x64') else jnp.int32)
    r = jax.random.randint(k4, (BATCH, 1), 0, RELATION_COUNT, dtype=jnp.int64 if jax.config.read('jax_enable_x64') else jnp.int32)
    o = jax.random.randint(k5, (BATCH, NEG), 0, ENTITY_COUNT, dtype=jnp.int64 if jax.config.read('jax_enable_x64') else jnp.int32)
    return {"s": s, "r": r, "o": o, "E": E, "R": R}


def reference(s, r, o, E, R):
    # DistMult scoring: <s_e, r_e, o_e>
    s_e = jnp.take(E, s, axis=0)        # [B, 1, D]
    r_e = jnp.take(R, r, axis=0)        # [B, 1, D]
    o_e = jnp.take(E, o, axis=0)        # [B, NEG, D]
    # o.shape[1] > 1 branch of the original forward
    tmp1 = s_e * r_e                     # [B, 1, D]
    result = (tmp1 * o_e).sum(axis=-1)   # [B, NEG]
    # torch .squeeze(1) is a no-op when dim 1 != 1
    if result.shape[1] == 1:
        result = jnp.squeeze(result, axis=1)
    return result

if __name__ == "__main__":
    import jax
    _d = setup_inputs()
    print(jax.jit(kernel)(*tuple(_d.values())))

</pallas_src>

<mosaic_0001>
#map = affine_map<(d0, d1) -> (0, 0, 0)>
#map1 = affine_map<(d0, d1) -> (0, 0)>
module attributes {stable_mosaic.version = 14 : i64} {
  func.func @sc_kernel(%arg0: i32, %arg1: i32, %arg2: memref<32x64x128xi32, #tpu.memory_space<hbm>>, %arg3: memref<32x128xi32, #tpu.memory_space<hbm>>, %arg4: memref<32x128xi32, #tpu.memory_space<hbm>>, %arg5: memref<500000x128xf32, #tpu.memory_space<hbm>>, %arg6: memref<500x128xf32, #tpu.memory_space<hbm>>, %arg7: memref<262144x128xf32, #tpu.memory_space<hbm>>, %arg8: memref<4096x128xf32, #tpu.memory_space<hbm>>, %arg9: memref<4096x128xf32, #tpu.memory_space<hbm>>, %arg10: memref<64x128xi32, #tpu.memory_space<vmem>>, %arg11: memref<128xi32, #tpu.memory_space<vmem>>, %arg12: memref<128xi32, #tpu.memory_space<vmem>>, %arg13: memref<256x128xf32, #tpu.memory_space<vmem>>, %arg14: memref<256x128xf32, #tpu.memory_space<vmem>>, %arg15: memref<128x128xf32, #tpu.memory_space<vmem>>, %arg16: memref<128x128xf32, #tpu.memory_space<vmem>>, %arg17: memref<!tpu.dma_semaphore, #tpu.memory_space<semaphore_mem>>, %arg18: memref<!tpu.dma_semaphore, #tpu.memory_space<semaphore_mem>>, %arg19: memref<!tpu.dma_semaphore, #tpu.memory_space<semaphore_mem>>, %arg20: memref<!tpu.dma_semaphore, #tpu.memory_space<semaphore_mem>>, %arg21: memref<!tpu.dma_semaphore, #tpu.memory_space<semaphore_mem>>) attributes {dimension_semantics = [#tpu.dimension_semantics<core_parallel>, #tpu.dimension_semantics<subcore_parallel>], iteration_bounds = array<i64: 2, 16>, scalar_prefetch = 0 : i64, scratch_operands = 12 : i64, tpu.core_type = #tpu.core_type<sc_vector_subcore>, window_params = [{transform_indices = #map}, {transform_indices = #map1}, {transform_indices = #map1}, {transform_indices = #map1}, {transform_indices = #map1}, {transform_indices = #map1}, {transform_indices = #map1}, {transform_indices = #map1}]} {
    %mul3A = arith.constant 2 : i32
    %mul3A_0 = arith.muli %arg1, %mul3A : i32
    %add3A = arith.addi %mul3A_0, %arg0 : i32
    %mul3A_1 = arith.constant 128 : i32
    %mul3A_2 = arith.muli %add3A, %mul3A_1 : i32
    %mul3A_3 = arith.constant 64 : i32
    %mul3A_4 = arith.muli %mul3A_2, %mul3A_3 : i32
    "tpu.region"() ({
      %run_scoped3A = tpu.sem_alloc : memref<!tpu.dma_semaphore, #tpu.memory_space<semaphore_mem>>
      %dma_start3A_51 = arith.constant 0 : i32
      %dma_start3A_52 = tpu.memref_slice %arg3[%add3A, %dma_start3A_51] : memref<32x128xi32, #tpu.memory_space<hbm>> -> memref<1x128xi32, #tpu.memory_space<hbm>>
      %dma_start3A_53 = tpu.memref_squeeze %dma_start3A_52 : memref<1x128xi32, #tpu.memory_space<hbm>> -> memref<128xi32, #tpu.memory_space<hbm>>
      %dma_start3A_54 = arith.constant 0 : i32
      %dma_start3A_55 = tpu.memref_slice %arg3[%add3A, %dma_start3A_54] : memref<32x128xi32, #tpu.memory_space<hbm>> -> memref<1x128xi32, #tpu.memory_space<hbm>>
      %dma_start3A_56 = tpu.memref_squeeze %dma_start3A_55 : memref<1x128xi32, #tpu.memory_space<hbm>> -> memref<128xi32, #tpu.memory_space<hbm>>
      tpu.enqueue_dma source(%dma_start3A_56 : memref<128xi32, #tpu.memory_space<hbm>>) target(%arg11 : memref<128xi32, #tpu.memory_space<vmem>>) target_semaphore(%run_scoped3A : memref<!tpu.dma_semaphore, #tpu.memory_space<semaphore_mem>>)
      %dma_wait3A_57 = arith.constant 0 : i32
      %dma_wait3A_58 = tpu.memref_slice %arg3[%add3A, %dma_wait3A_57] : memref<32x128xi32, #tpu.memory_space<hbm>> -> memref<1x128xi32, #tpu.memory_space<hbm>>
      %dma_wait3A_59 = tpu.memref_squeeze %dma_wait3A_58 : memref<1x128xi32, #tpu.memory_space<hbm>> -> memref<128xi32, #tpu.memory_space<hbm>>
      %dma_wait3A_60 = arith.constant 0 : i32
      %dma_wait3A_61 = tpu.memref_slice %arg3[%add3A, %dma_wait3A_60] : memref<32x128xi32, #tpu.memory_space<hbm>> -> memref<1x128xi32, #tpu.memory_space<hbm>>
      %dma_wait3A_62 = tpu.memref_squeeze %dma_wait3A_61 : memref<1x128xi32, #tpu.memory_space<hbm>> -> memref<128xi32, #tpu.memory_space<hbm>>
      tpu.wait_dma2 semaphore(%run_scoped3A : memref<!tpu.dma_semaphore, #tpu.memory_space<semaphore_mem>>) src(%dma_wait3A_62 : memref<128xi32, #tpu.memory_space<hbm>>) dst(%arg11 : memref<128xi32, #tpu.memory_space<vmem>>)
      tpu.yield
    }) : () -> ()
    "tpu.region"() ({
      %run_scoped3A = tpu.sem_alloc : memref<!tpu.dma_semaphore, #tpu.memory_space<semaphore_mem>>
      %dma_start3A_51 = arith.constant 0 : i32
      %dma_start3A_52 = tpu.memref_slice %arg4[%add3A, %dma_start3A_51] : memref<32x128xi32, #tpu.memory_space<hbm>> -> memref<1x128xi32, #tpu.memory_space<hbm>>
      %dma_start3A_53 = tpu.memref_squeeze %dma_start3A_52 : memref<1x128xi32, #tpu.memory_space<hbm>> -> memref<128xi32, #tpu.memory_space<hbm>>
      %dma_start3A_54 = arith.constant 0 : i32
      %dma_start3A_55 = tpu.memref_slice %arg4[%add3A, %dma_start3A_54] : memref<32x128xi32, #tpu.memory_space<hbm>> -> memref<1x128xi32, #tpu.memory_space<hbm>>
      %dma_start3A_56 = tpu.memref_squeeze %dma_start3A_55 : memref<1x128xi32, #tpu.memory_space<hbm>> -> memref<128xi32, #tpu.memory_space<hbm>>
      tpu.enqueue_dma source(%dma_start3A_56 : memref<128xi32, #tpu.memory_space<hbm>>) target(%arg12 : memref<128xi32, #tpu.memory_space<vmem>>) target_semaphore(%run_scoped3A : memref<!tpu.dma_semaphore, #tpu.memory_space<semaphore_mem>>)
      %dma_wait3A_57 = arith.constant 0 : i32
      %dma_wait3A_58 = tpu.memref_slice %arg4[%add3A, %dma_wait3A_57] : memref<32x128xi32, #tpu.memory_space<hbm>> -> memref<1x128xi32, #tpu.memory_space<hbm>>
      %dma_wait3A_59 = tpu.memref_squeeze %dma_wait3A_58 : memref<1x128xi32, #tpu.memory_space<hbm>> -> memref<128xi32, #tpu.memory_space<hbm>>
      %dma_wait3A_60 = arith.constant 0 : i32
      %dma_wait3A_61 = tpu.memref_slice %arg4[%add3A, %dma_wait3A_60] : memref<32x128xi32, #tpu.memory_space<hbm>> -> memref<1x128xi32, #tpu.memory_space<hbm>>
      %dma_wait3A_62 = tpu.memref_squeeze %dma_wait3A_61 : memref<1x128xi32, #tpu.memory_space<hbm>> -> memref<128xi32, #tpu.memory_space<hbm>>
      tpu.wait_dma2 semaphore(%run_scoped3A : memref<!tpu.dma_semaphore, #tpu.memory_space<semaphore_mem>>) src(%dma_wait3A_62 : memref<128xi32, #tpu.memory_space<hbm>>) dst(%arg12 : memref<128xi32, #tpu.memory_space<vmem>>)
      tpu.yield
    }) : () -> ()
    "tpu.region"() ({
      %run_scoped3A = tpu.sem_alloc : memref<!tpu.dma_semaphore, #tpu.memory_space<semaphore_mem>>
      %dma_start3A_51 = arith.constant 0 : i32
      %dma_start3A_52 = arith.constant 0 : i32
      %dma_start3A_53 = tpu.memref_slice %arg2[%add3A, %dma_start3A_51, %dma_start3A_52] : memref<32x64x128xi32, #tpu.memory_space<hbm>> -> memref<1x64x128xi32, #tpu.memory_space<hbm>>
      %dma_start3A_54 = tpu.memref_squeeze %dma_start3A_53 : memref<1x64x128xi32, #tpu.memory_space<hbm>> -> memref<64x128xi32, #tpu.memory_space<hbm>>
      %dma_start3A_55 = arith.constant 0 : i32
      %dma_start3A_56 = arith.constant 0 : i32
      %dma_start3A_57 = tpu.memref_slice %arg2[%add3A, %dma_start3A_55, %dma_start3A_56] : memref<32x64x128xi32, #tpu.memory_space<hbm>> -> memref<1x64x128xi32, #tpu.memory_space<hbm>>
      %dma_start3A_58 = tpu.memref_squeeze %dma_start3A_57 : memref<1x64x128xi32, #tpu.memory_space<hbm>> -> memref<64x128xi32, #tpu.memory_space<hbm>>
      tpu.enqueue_dma source(%dma_start3A_58 : memref<64x128xi32, #tpu.memory_space<hbm>>) target(%arg10 : memref<64x128xi32, #tpu.memory_space<vmem>>) target_semaphore(%run_scoped3A : memref<!tpu.dma_semaphore, #tpu.memory_space<semaphore_mem>>)
      %dma_wait3A_59 = arith.constant 0 : i32
      %dma_wait3A_60 = arith.constant 0 : i32
      %dma_wait3A_61 = tpu.memref_slice %arg2[%add3A, %dma_wait3A_59, %dma_wait3A_60] : memref<32x64x128xi32, #tpu.memory_space<hbm>> -> memref<1x64x128xi32, #tpu.memory_space<hbm>>
      %dma_wait3A_62 = tpu.memref_squeeze %dma_wait3A_61 : memref<1x64x128xi32, #tpu.memory_space<hbm>> -> memref<64x128xi32, #tpu.memory_space<hbm>>
      %dma_wait3A_63 = arith.constant 0 : i32
      %dma_wait3A_64 = arith.constant 0 : i32
      %dma_wait3A_65 = tpu.memref_slice %arg2[%add3A, %dma_wait3A_63, %dma_wait3A_64] : memref<32x64x128xi32, #tpu.memory_space<hbm>> -> memref<1x64x128xi32, #tpu.memory_space<hbm>>
      %dma_wait3A_66 = tpu.memref_squeeze %dma_wait3A_65 : memref<1x64x128xi32, #tpu.memory_space<hbm>> -> memref<64x128xi32, #tpu.memory_space<hbm>>
      tpu.wait_dma2 semaphore(%run_scoped3A : memref<!tpu.dma_semaphore, #tpu.memory_space<semaphore_mem>>) src(%dma_wait3A_66 : memref<64x128xi32, #tpu.memory_space<hbm>>) dst(%arg10 : memref<64x128xi32, #tpu.memory_space<vmem>>)
      tpu.yield
    }) : () -> ()
    %dma_start3A = arith.constant 0 : i32
    %dma_start3A_5 = arith.constant 0 : i32
    %dma_start3A_6 = tpu.memref_slice %arg5[%dma_start3A, %dma_start3A_5] : memref<500000x128xf32, #tpu.memory_space<hbm>> -> memref<500000x128xf32, #tpu.memory_space<hbm>>
    tpu.enqueue_indirect_dma source(%dma_start3A_6 : memref<500000x128xf32, #tpu.memory_space<hbm>>) target(%arg15 : memref<128x128xf32, #tpu.memory_space<vmem>>) offsets(%arg11 : memref<128xi32, #tpu.memory_space<vmem>>) semaphore(%arg21 : memref<!tpu.dma_semaphore, #tpu.memory_space<semaphore_mem>>)
    %dma_start3A_7 = arith.constant 0 : i32
    %dma_start3A_8 = arith.constant 0 : i32
    %dma_start3A_9 = tpu.memref_slice %arg6[%dma_start3A_7, %dma_start3A_8] : memref<500x128xf32, #tpu.memory_space<hbm>> -> memref<500x128xf32, #tpu.memory_space<hbm>>
    tpu.enqueue_indirect_dma source(%dma_start3A_9 : memref<500x128xf32, #tpu.memory_space<hbm>>) target(%arg16 : memref<128x128xf32, #tpu.memory_space<vmem>>) offsets(%arg12 : memref<128xi32, #tpu.memory_space<vmem>>) semaphore(%arg21 : memref<!tpu.dma_semaphore, #tpu.memory_space<semaphore_mem>>)
    %dma_start3A_10 = arith.constant 0 : i32
    %dma_start3A_11 = arith.constant 0 : i32
    %dma_start3A_12 = arith.constant 0 : i32
    %dma_start3A_13 = tpu.memref_slice %arg13[%dma_start3A_11, %dma_start3A_12] : memref<256x128xf32, #tpu.memory_space<vmem>> -> memref<128x128xf32, #tpu.memory_space<vmem>>
    %dma_start3A_14 = arith.constant 0 : i32
    %dma_start3A_15 = tpu.memref_slice %arg10[%dma_start3A_10, %dma_start3A_14] : memref<64x128xi32, #tpu.memory_space<vmem>> -> memref<1x128xi32, #tpu.memory_space<vmem>>
    %dma_start3A_16 = tpu.memref_squeeze %dma_start3A_15 : memref<1x128xi32, #tpu.memory_space<vmem>> -> memref<128xi32, #tpu.memory_space<vmem>>
    %dma_start3A_17 = arith.constant 0 : i32
    %dma_start3A_18 = arith.constant 0 : i32
    %dma_start3A_19 = tpu.memref_slice %arg5[%dma_start3A_17, %dma_start3A_18] : memref<500000x128xf32, #tpu.memory_space<hbm>> -> memref<500000x128xf32, #tpu.memory_space<hbm>>
    tpu.enqueue_indirect_dma source(%dma_start3A_19 : memref<500000x128xf32, #tpu.memory_space<hbm>>) target(%dma_start3A_13 : memref<128x128xf32, #tpu.memory_space<vmem>>) offsets(%dma_start3A_16 : memref<128xi32, #tpu.memory_space<vmem>>) semaphore(%arg17 : memref<!tpu.dma_semaphore, #tpu.memory_space<semaphore_mem>>)
    %dma_start3A_20 = arith.constant 1 : i32
    %dma_start3A_21 = arith.constant 128 : i32
    %dma_start3A_22 = arith.constant 0 : i32
    %dma_start3A_23 = tpu.memref_slice %arg13[%dma_start3A_21, %dma_start3A_22] : memref<256x128xf32, #tpu.memory_space<vmem>> -> memref<128x128xf32, #tpu.memory_space<vmem>>
    %dma_start3A_24 = arith.constant 0 : i32
    %dma_start3A_25 = tpu.memref_slice %arg10[%dma_start3A_20, %dma_start3A_24] : memref<64x128xi32, #tpu.memory_space<vmem>> -> memref<1x128xi32, #tpu.memory_space<vmem>>
    %dma_start3A_26 = tpu.memref_squeeze %dma_start3A_25 : memref<1x128xi32, #tpu.memory_space<vmem>> -> memref<128xi32, #tpu.memory_space<vmem>>
    %dma_start3A_27 = arith.constant 0 : i32
    %dma_start3A_28 = arith.constant 0 : i32
    %dma_start3A_29 = tpu.memref_slice %arg5[%dma_start3A_27, %dma_start3A_28] : memref<500000x128xf32, #tpu.memory_space<hbm>> -> memref<500000x128xf32, #tpu.memory_space<hbm>>
    tpu.enqueue_indirect_dma source(%dma_start3A_29 : memref<500000x128xf32, #tpu.memory_space<hbm>>) target(%dma_start3A_23 : memref<128x128xf32, #tpu.memory_space<vmem>>) offsets(%dma_start3A_26 : memref<128xi32, #tpu.memory_space<vmem>>) semaphore(%arg17 : memref<!tpu.dma_semaphore, #tpu.memory_space<semaphore_mem>>)
    %scan3A = arith.constant 0 : i32
    %scan3A_30 = arith.constant 16 : i32
    %scan3A_31 = arith.addi %scan3A, %scan3A_30 : i32
    %scan3A_32 = arith.constant 1 : i32
    scf.for %scan3A_51 = %scan3A to %scan3A_31 step %scan3A_32  : i32 {
      %mul3A_52 = arith.constant 2 : i32
      %mul3A_53 = arith.muli %scan3A_51, %mul3A_52 : i32
      %add3A_54 = arith.constant 0 : i32
      %add3A_55 = arith.addi %add3A_54, %mul3A_53 : i32
      %gt3A = arith.constant 0 : i32
      %gt3A_56 = arith.cmpi sgt, %add3A_55, %gt3A : i32
      %convert_element_type3A = arith.extui %gt3A_56 : i1 to i32
      %cond3A = arith.constant 0 : i32
      %cond3A_57 = arith.cmpi ne, %convert_element_type3A, %cond3A : i32
      scf.if %cond3A_57 {
        %dma_wait3A_148 = arith.constant 0 : i32
        %dma_wait3A_149 = tpu.memref_slice %arg7[%mul3A_4, %dma_wait3A_148] : memref<262144x128xf32, #tpu.memory_space<hbm>> -> memref<256x128xf32, #tpu.memory_space<hbm>>
        %dma_wait3A_150 = arith.constant 0 : i32
        %dma_wait3A_151 = tpu.memref_slice %arg7[%mul3A_4, %dma_wait3A_150] : memref<262144x128xf32, #tpu.memory_space<hbm>> -> memref<256x128xf32, #tpu.memory_space<hbm>>
        tpu.wait_dma2 semaphore(%arg20 : memref<!tpu.dma_semaphore, #tpu.memory_space<semaphore_mem>>) src(%arg14 : memref<256x128xf32, #tpu.memory_space<vmem>>) dst(%dma_wait3A_151 : memref<256x128xf32, #tpu.memory_space<hbm>>)
      } else {
      }
      %add3A_58 = arith.constant 1 : i32
      %add3A_59 = arith.addi %add3A_55, %add3A_58 : i32
      %mul3A_60 = arith.constant 2 : i32
      %mul3A_61 = arith.muli %add3A_59, %mul3A_60 : i32
      %add3A_62 = arith.constant 0 : i32
      %add3A_63 = arith.addi %mul3A_61, %add3A_62 : i32
      %dma_start3A_64 = arith.constant 0 : i32
      %dma_start3A_65 = arith.constant 0 : i32
      %dma_start3A_66 = tpu.memref_slice %arg14[%dma_start3A_64, %dma_start3A_65] : memref<256x128xf32, #tpu.memory_space<vmem>> -> memref<128x128xf32, #tpu.memory_space<vmem>>
      %dma_start3A_67 = arith.constant 0 : i32
      %dma_start3A_68 = tpu.memref_slice %arg10[%add3A_63, %dma_start3A_67] : memref<64x128xi32, #tpu.memory_space<vmem>> -> memref<1x128xi32, #tpu.memory_space<vmem>>
      %dma_start3A_69 = tpu.memref_squeeze %dma_start3A_68 : memref<1x128xi32, #tpu.memory_space<vmem>> -> memref<128xi32, #tpu.memory_space<vmem>>
      %dma_start3A_70 = arith.constant 0 : i32
      %dma_start3A_71 = arith.constant 0 : i32
      %dma_start3A_72 = tpu.memref_slice %arg5[%dma_start3A_70, %dma_start3A_71] : memref<500000x128xf32, #tpu.memory_space<hbm>> -> memref<500000x128xf32, #tpu.memory_space<hbm>>
      tpu.enqueue_indirect_dma source(%dma_start3A_72 : memref<500000x128xf32, #tpu.memory_space<hbm>>) target(%dma_start3A_66 : memref<128x128xf32, #tpu.memory_space<vmem>>) offsets(%dma_start3A_69 : memref<128xi32, #tpu.memory_space<vmem>>) semaphore(%arg18 : memref<!tpu.dma_semaphore, #tpu.memory_space<semaphore_mem>>)
      %mul3A_73 = arith.constant 2 : i32
      %mul3A_74 = arith.muli %add3A_59, %mul3A_73 : i32
      %add3A_75 = arith.constant 1 : i32
      %add3A_76 = arith.addi %mul3A_74, %add3A_75 : i32
      %dma_start3A_77 = arith.constant 128 : i32
      %dma_start3A_78 = arith.constant 0 : i32
      %dma_start3A_79 = tpu.memref_slice %arg14[%dma_start3A_77, %dma_start3A_78] : memref<256x128xf32, #tpu.memory_space<vmem>> -> memref<128x128xf32, #tpu.memory_space<vmem>>
      %dma_start3A_80 = arith.constant 0 : i32
      %dma_start3A_81 = tpu.memref_slice %arg10[%add3A_76, %dma_start3A_80] : memref<64x128xi32, #tpu.memory_space<vmem>> -> memref<1x128xi32, #tpu.memory_space<vmem>>
      %dma_start3A_82 = tpu.memref_squeeze %dma_start3A_81 : memref<1x128xi32, #tpu.memory_space<vmem>> -> memref<128xi32, #tpu.memory_space<vmem>>
      %dma_start3A_83 = arith.constant 0 : i32
      %dma_start3A_84 = arith.constant 0 : i32
      %dma_start3A_85 = tpu.memref_slice %arg5[%dma_start3A_83, %dma_start3A_84] : memref<500000x128xf32, #tpu.memory_space<hbm>> -> memref<500000x128xf32, #tpu.memory_space<hbm>>
      tpu.enqueue_indirect_dma source(%dma_start3A_85 : memref<500000x128xf32, #tpu.memory_space<hbm>>) target(%dma_start3A_79 : memref<128x128xf32, #tpu.memory_space<vmem>>) offsets(%dma_start3A_82 : memref<128xi32, #tpu.memory_space<vmem>>) semaphore(%arg18 : memref<!tpu.dma_semaphore, #tpu.memory_space<semaphore_mem>>)
      %dma_wait3A_86 = arith.constant 0 : i32
      %dma_wait3A_87 = arith.constant 0 : i32
      %dma_wait3A_88 = arith.constant 0 : i32
      %dma_wait3A_89 = tpu.memref_slice %arg13[%dma_wait3A_87, %dma_wait3A_88] : memref<256x128xf32, #tpu.memory_space<vmem>> -> memref<128x128xf32, #tpu.memory_space<vmem>>
      %dma_wait3A_90 = arith.constant 0 : i32
      %dma_wait3A_91 = tpu.memref_slice %arg10[%dma_wait3A_86, %dma_wait3A_90] : memref<64x128xi32, #tpu.memory_space<vmem>> -> memref<1x128xi32, #tpu.memory_space<vmem>>
      %dma_wait3A_92 = tpu.memref_squeeze %dma_wait3A_91 : memref<1x128xi32, #tpu.memory_space<vmem>> -> memref<128xi32, #tpu.memory_space<vmem>>
      %dma_wait3A_93 = arith.constant 0 : i32
      %dma_wait3A_94 = arith.constant 0 : i32
      %dma_wait3A_95 = tpu.memref_slice %arg5[%dma_wait3A_93, %dma_wait3A_94] : memref<500000x128xf32, #tpu.memory_space<hbm>> -> memref<500000x128xf32, #tpu.memory_space<hbm>>
      tpu.wait_indirect_dma semaphore(%arg17 : memref<!tpu.dma_semaphore, #tpu.memory_space<semaphore_mem>>) src(%dma_wait3A_95 : memref<500000x128xf32, #tpu.memory_space<hbm>>) dst(%dma_wait3A_89 : memref<128x128xf32, #tpu.memory_space<vmem>>)
      %dma_wait3A_96 = arith.constant 1 : i32
      %dma_wait3A_97 = arith.constant 128 : i32
      %dma_wait3A_98 = arith.constant 0 : i32
      %dma_wait3A_99 = tpu.memref_slice %arg13[%dma_wait3A_97, %dma_wait3A_98] : memref<256x128xf32, #tpu.memory_space<vmem>> -> memref<128x128xf32, #tpu.memory_space<vmem>>
      %dma_wait3A_100 = arith.constant 0 : i32
      %dma_wait3A_101 = tpu.memref_slice %arg10[%dma_wait3A_96, %dma_wait3A_100] : memref<64x128xi32, #tpu.memory_space<vmem>> -> memref<1x128xi32, #tpu.memory_space<vmem>>
      %dma_wait3A_102 = tpu.memref_squeeze %dma_wait3A_101 : memref<1x128xi32, #tpu.memory_space<vmem>> -> memref<128xi32, #tpu.memory_space<vmem>>
      %dma_wait3A_103 = arith.constant 0 : i32
      %dma_wait3A_104 = arith.constant 0 : i32
      %dma_wait3A_105 = tpu.memref_slice %arg5[%dma_wait3A_103, %dma_wait3A_104] : memref<500000x128xf32, #tpu.memory_space<hbm>> -> memref<500000x128xf32, #tpu.memory_space<hbm>>
      tpu.wait_indirect_dma semaphore(%arg17 : memref<!tpu.dma_semaphore, #tpu.memory_space<semaphore_mem>>) src(%dma_wait3A_105 : memref<500000x128xf32, #tpu.memory_space<hbm>>) dst(%dma_wait3A_99 : memref<128x128xf32, #tpu.memory_space<vmem>>)
      %mul3A_106 = arith.constant 256 : i32
      %mul3A_107 = arith.muli %add3A_55, %mul3A_106 : i32
      %add3A_108 = arith.addi %mul3A_4, %mul3A_107 : i32
      %dma_start3A_109 = arith.constant 0 : i32
      %dma_start3A_110 = tpu.memref_slice %arg7[%add3A_108, %dma_start3A_109] : memref<262144x128xf32, #tpu.memory_space<hbm>> -> memref<256x128xf32, #tpu.memory_space<hbm>>
      %dma_start3A_111 = arith.constant 0 : i32
      %dma_start3A_112 = tpu.memref_slice %arg7[%add3A_108, %dma_start3A_111] : memref<262144x128xf32, #tpu.memory_space<hbm>> -> memref<256x128xf32, #tpu.memory_space<hbm>>
      tpu.enqueue_dma source(%arg13 : memref<256x128xf32, #tpu.memory_space<vmem>>) target(%dma_start3A_112 : memref<256x128xf32, #tpu.memory_space<hbm>>) target_semaphore(%arg19 : memref<!tpu.dma_semaphore, #tpu.memory_space<semaphore_mem>>)
      %dma_wait3A_113 = arith.constant 0 : i32
      %dma_wait3A_114 = arith.constant 0 : i32
      %dma_wait3A_115 = arith.constant 0 : i32
      %dma_wait3A_116 = tpu.memref_slice %arg14[%dma_wait3A_114, %dma_wait3A_115] : memref<256x128xf32, #tpu.memory_space<vmem>> -> memref<128x128xf32, #tpu.memory_space<vmem>>
      %dma_wait3A_117 = arith.constant 0 : i32
      %dma_wait3A_118 = tpu.memref_slice %arg10[%dma_wait3A_113, %dma_wait3A_117] : memref<64x128xi32, #tpu.memory_space<vmem>> -> memref<1x128xi32, #tpu.memory_space<vmem>>
      %dma_wait3A_119 = tpu.memref_squeeze %dma_wait3A_118 : memref<1x128xi32, #tpu.memory_space<vmem>> -> memref<128xi32, #tpu.memory_space<vmem>>
      %dma_wait3A_120 = arith.constant 0 : i32
      %dma_wait3A_121 = arith.constant 0 : i32
      %dma_wait3A_122 = tpu.memref_slice %arg5[%dma_wait3A_120, %dma_wait3A_121] : memref<500000x128xf32, #tpu.memory_space<hbm>> -> memref<500000x128xf32, #tpu.memory_space<hbm>>
      tpu.wait_indirect_dma semaphore(%arg18 : memref<!tpu.dma_semaphore, #tpu.memory_space<semaphore_mem>>) src(%dma_wait3A_122 : memref<500000x128xf32, #tpu.memory_space<hbm>>) dst(%dma_wait3A_116 : memref<128x128xf32, #tpu.memory_space<vmem>>)
      %dma_wait3A_123 = arith.constant 1 : i32
      %dma_wait3A_124 = arith.constant 128 : i32
      %dma_wait3A_125 = arith.constant 0 : i32
      %dma_wait3A_126 = tpu.memref_slice %arg14[%dma_wait3A_124, %dma_wait3A_125] : memref<256x128xf32, #tpu.memory_space<vmem>> -> memref<128x128xf32, #tpu.memory_space<vmem>>
      %dma_wait3A_127 = arith.constant 0 : i32
      %dma_wait3A_128 = tpu.memref_slice %arg10[%dma_wait3A_123, %dma_wait3A_127] : memref<64x128xi32, #tpu.memory_space<vmem>> -> memref<1x128xi32, #tpu.memory_space<vmem>>
      %dma_wait3A_129 = tpu.memref_squeeze %dma_wait3A_128 : memref<1x128xi32, #tpu.memory_space<vmem>> -> memref<128xi32, #tpu.memory_space<vmem>>
      %dma_wait3A_130 = arith.constant 0 : i32
      %dma_wait3A_131 = arith.constant 0 : i32
      %dma_wait3A_132 = tpu.memref_slice %arg5[%dma_wait3A_130, %dma_wait3A_131] : memref<500000x128xf32, #tpu.memory_space<hbm>> -> memref<500000x128xf32, #tpu.memory_space<hbm>>
      tpu.wait_indirect_dma semaphore(%arg18 : memref<!tpu.dma_semaphore, #tpu.memory_space<semaphore_mem>>) src(%dma_wait3A_132 : memref<500000x128xf32, #tpu.memory_space<hbm>>) dst(%dma_wait3A_126 : memref<128x128xf32, #tpu.memory_space<vmem>>)
      %add3A_133 = arith.constant 1 : i32
      %add3A_134 = arith.addi %add3A_55, %add3A_133 : i32
      %mul3A_135 = arith.constant 256 : i32
      %mul3A_136 = arith.muli %add3A_134, %mul3A_135 : i32
      %add3A_137 = arith.addi %mul3A_4, %mul3A_136 : i32
      %dma_start3A_138 = arith.constant 0 : i32
      %dma_start3A_139 = tpu.memref_slice %arg7[%add3A_137, %dma_start3A_138] : memref<262144x128xf32, #tpu.memory_space<hbm>> -> memref<256x128xf32, #tpu.memory_space<hbm>>
      %dma_start3A_140 = arith.constant 0 : i32
      %dma_start3A_141 = tpu.memref_slice %arg7[%add3A_137, %dma_start3A_140] : memref<262144x128xf32, #tpu.memory_space<hbm>> -> memref<256x128xf32, #tpu.memory_space<hbm>>
      tpu.enqueue_dma source(%arg14 : memref<256x128xf32, #tpu.memory_space<vmem>>) target(%dma_start3A_141 : memref<256x128xf32, #tpu.memory_space<hbm>>) target_semaphore(%arg20 : memref<!tpu.dma_semaphore, #tpu.memory_space<semaphore_mem>>)
      %add3A_142 = arith.constant 2 : i32
      %add3A_143 = arith.addi %add3A_55, %add3A_142 : i32
      %lt3A = arith.constant 32 : i32
      %lt3A_144 = arith.cmpi slt, %add3A_143, %lt3A : i32
      %convert_element_type3A_145 = arith.extui %lt3A_144 : i1 to i32
      %cond3A_146 = arith.constant 0 : i32
      %cond3A_147 = arith.cmpi ne, %convert_element_type3A_145, %cond3A_146 : i32
      scf.if %cond3A_147 {
        %dma_wait3A_148 = arith.constant 0 : i32
        %dma_wait3A_149 = tpu.memref_slice %arg7[%mul3A_4, %dma_wait3A_148] : memref<262144x128xf32, #tpu.memory_space<hbm>> -> memref<256x128xf32, #tpu.memory_space<hbm>>
        %dma_wait3A_150 = arith.constant 0 : i32
        %dma_wait3A_151 = tpu.memref_slice %arg7[%mul3A_4, %dma_wait3A_150] : memref<262144x128xf32, #tpu.memory_space<hbm>> -> memref<256x128xf32, #tpu.memory_space<hbm>>
        tpu.wait_dma2 semaphore(%arg19 : memref<!tpu.dma_semaphore, #tpu.memory_space<semaphore_mem>>) src(%arg13 : memref<256x128xf32, #tpu.memory_space<vmem>>) dst(%dma_wait3A_151 : memref<256x128xf32, #tpu.memory_space<hbm>>)
        %add3A_152 = arith.constant 2 : i32
        %add3A_153 = arith.addi %add3A_55, %add3A_152 : i32
        %mul3A_154 = arith.constant 2 : i32
        %mul3A_155 = arith.muli %add3A_153, %mul3A_154 : i32
        %add3A_156 = arith.constant 0 : i32
        %add3A_157 = arith.addi %mul3A_155, %add3A_156 : i32
        %dma_start3A_158 = arith.constant 0 : i32
        %dma_start3A_159 = arith.constant 0 : i32
        %dma_start3A_160 = tpu.memref_slice %arg13[%dma_start3A_158, %dma_start3A_159] : memref<256x128xf32, #tpu.memory_space<vmem>> -> memref<128x128xf32, #tpu.memory_space<vmem>>
        %dma_start3A_161 = arith.constant 0 : i32
        %dma_start3A_162 = tpu.memref_slice %arg10[%add3A_157, %dma_start3A_161] : memref<64x128xi32, #tpu.memory_space<vmem>> -> memref<1x128xi32, #tpu.memory_space<vmem>>
        %dma_start3A_163 = tpu.memref_squeeze %dma_start3A_162 : memref<1x128xi32, #tpu.memory_space<vmem>> -> memref<128xi32, #tpu.memory_space<vmem>>
        %dma_start3A_164 = arith.constant 0 : i32
        %dma_start3A_165 = arith.constant 0 : i32
        %dma_start3A_166 = tpu.memref_slice %arg5[%dma_start3A_164, %dma_start3A_165] : memref<500000x128xf32, #tpu.memory_space<hbm>> -> memref<500000x128xf32, #tpu.memory_space<hbm>>
        tpu.enqueue_indirect_dma source(%dma_start3A_166 : memref<500000x128xf32, #tpu.memory_space<hbm>>) target(%dma_start3A_160 : memref<128x128xf32, #tpu.memory_space<vmem>>) offsets(%dma_start3A_163 : memref<128xi32, #tpu.memory_space<vmem>>) semaphore(%arg17 : memref<!tpu.dma_semaphore, #tpu.memory_space<semaphore_mem>>)
        %mul3A_167 = arith.constant 2 : i32
        %mul3A_168 = arith.muli %add3A_153, %mul3A_167 : i32
        %add3A_169 = arith.constant 1 : i32
        %add3A_170 = arith.addi %mul3A_168, %add3A_169 : i32
        %dma_start3A_171 = arith.constant 128 : i32
        %dma_start3A_172 = arith.constant 0 : i32
        %dma_start3A_173 = tpu.memref_slice %arg13[%dma_start3A_171, %dma_start3A_172] : memref<256x128xf32, #tpu.memory_space<vmem>> -> memref<128x128xf32, #tpu.memory_space<vmem>>
        %dma_start3A_174 = arith.constant 0 : i32
        %dma_start3A_175 = tpu.memref_slice %arg10[%add3A_170, %dma_start3A_174] : memref<64x128xi32, #tpu.memory_space<vmem>> -> memref<1x128xi32, #tpu.memory_space<vmem>>
        %dma_start3A_176 = tpu.memref_squeeze %dma_start3A_175 : memref<1x128xi32, #tpu.memory_space<vmem>> -> memref<128xi32, #tpu.memory_space<vmem>>
        %dma_start3A_177 = arith.constant 0 : i32
        %dma_start3A_178 = arith.constant 0 : i32
        %dma_start3A_179 = tpu.memref_slice %arg5[%dma_start3A_177, %dma_start3A_178] : memref<500000x128xf32, #tpu.memory_space<hbm>> -> memref<500000x128xf32, #tpu.memory_space<hbm>>
        tpu.enqueue_indirect_dma source(%dma_start3A_179 : memref<500000x128xf32, #tpu.memory_space<hbm>>) target(%dma_start3A_173 : memref<128x128xf32, #tpu.memory_space<vmem>>) offsets(%dma_start3A_176 : memref<128xi32, #tpu.memory_space<vmem>>) semaphore(%arg17 : memref<!tpu.dma_semaphore, #tpu.memory_space<semaphore_mem>>)
      } else {
      }
    }
    %scan3A_33 = arith.constant 16 : i32
    %dma_wait3A = arith.constant 0 : i32
    %dma_wait3A_34 = tpu.memref_slice %arg7[%mul3A_4, %dma_wait3A] : memref<262144x128xf32, #tpu.memory_space<hbm>> -> memref<256x128xf32, #tpu.memory_space<hbm>>
    %dma_wait3A_35 = arith.constant 0 : i32
    %dma_wait3A_36 = tpu.memref_slice %arg7[%mul3A_4, %dma_wait3A_35] : memref<262144x128xf32, #tpu.memory_space<hbm>> -> memref<256x128xf32, #tpu.memory_space<hbm>>
    tpu.wait_dma2 semaphore(%arg19 : memref<!tpu.dma_semaphore, #tpu.memory_space<semaphore_mem>>) src(%arg13 : memref<256x128xf32, #tpu.memory_space<vmem>>) dst(%dma_wait3A_36 : memref<256x128xf32, #tpu.memory_space<hbm>>)
    %dma_wait3A_37 = arith.constant 0 : i32
    %dma_wait3A_38 = tpu.memref_slice %arg7[%mul3A_4, %dma_wait3A_37] : memref<262144x128xf32, #tpu.memory_space<hbm>> -> memref<256x128xf32, #tpu.memory_space<hbm>>
    %dma_wait3A_39 = arith.constant 0 : i32
    %dma_wait3A_40 = tpu.memref_slice %arg7[%mul3A_4, %dma_wait3A_39] : memref<262144x128xf32, #tpu.memory_space<hbm>> -> memref<256x128xf32, #tpu.memory_space<hbm>>
    tpu.wait_dma2 semaphore(%arg20 : memref<!tpu.dma_semaphore, #tpu.memory_space<semaphore_mem>>) src(%arg14 : memref<256x128xf32, #tpu.memory_space<vmem>>) dst(%dma_wait3A_40 : memref<256x128xf32, #tpu.memory_space<hbm>>)
    %dma_wait3A_41 = arith.constant 0 : i32
    %dma_wait3A_42 = arith.constant 0 : i32
    %dma_wait3A_43 = tpu.memref_slice %arg5[%dma_wait3A_41, %dma_wait3A_42] : memref<500000x128xf32, #tpu.memory_space<hbm>> -> memref<500000x128xf32, #tpu.memory_space<hbm>>
    tpu.wait_indirect_dma semaphore(%arg21 : memref<!tpu.dma_semaphore, #tpu.memory_space<semaphore_mem>>) src(%dma_wait3A_43 : memref<500000x128xf32, #tpu.memory_space<hbm>>) dst(%arg15 : memref<128x128xf32, #tpu.memory_space<vmem>>)
    %dma_wait3A_44 = arith.constant 0 : i32
    %dma_wait3A_45 = arith.constant 0 : i32
    %dma_wait3A_46 = tpu.memref_slice %arg6[%dma_wait3A_44, %dma_wait3A_45] : memref<500x128xf32, #tpu.memory_space<hbm>> -> memref<500x128xf32, #tpu.memory_space<hbm>>
    tpu.wait_indirect_dma semaphore(%arg21 : memref<!tpu.dma_semaphore, #tpu.memory_space<semaphore_mem>>) src(%dma_wait3A_46 : memref<500x128xf32, #tpu.memory_space<hbm>>) dst(%arg16 : memref<128x128xf32, #tpu.memory_space<vmem>>)
    %mul3A_47 = arith.constant 128 : i32
    %mul3A_48 = arith.muli %add3A, %mul3A_47 : i32
    "tpu.region"() ({
      %run_scoped3A = tpu.sem_alloc : memref<!tpu.dma_semaphore, #tpu.memory_space<semaphore_mem>>
      %dma_start3A_51 = arith.constant 0 : i32
      %dma_start3A_52 = tpu.memref_slice %arg8[%mul3A_48, %dma_start3A_51] : memref<4096x128xf32, #tpu.memory_space<hbm>> -> memref<128x128xf32, #tpu.memory_space<hbm>>
      %dma_start3A_53 = arith.constant 0 : i32
      %dma_start3A_54 = tpu.memref_slice %arg8[%mul3A_48, %dma_start3A_53] : memref<4096x128xf32, #tpu.memory_space<hbm>> -> memref<128x128xf32, #tpu.memory_space<hbm>>
      tpu.enqueue_dma source(%arg15 : memref<128x128xf32, #tpu.memory_space<vmem>>) target(%dma_start3A_54 : memref<128x128xf32, #tpu.memory_space<hbm>>) target_semaphore(%run_scoped3A : memref<!tpu.dma_semaphore, #tpu.memory_space<semaphore_mem>>)
      %dma_wait3A_55 = arith.constant 0 : i32
      %dma_wait3A_56 = tpu.memref_slice %arg8[%mul3A_48, %dma_wait3A_55] : memref<4096x128xf32, #tpu.memory_space<hbm>> -> memref<128x128xf32, #tpu.memory_space<hbm>>
      %dma_wait3A_57 = arith.constant 0 : i32
      %dma_wait3A_58 = tpu.memref_slice %arg8[%mul3A_48, %dma_wait3A_57] : memref<4096x128xf32, #tpu.memory_space<hbm>> -> memref<128x128xf32, #tpu.memory_space<hbm>>
      tpu.wait_dma2 semaphore(%run_scoped3A : memref<!tpu.dma_semaphore, #tpu.memory_space<semaphore_mem>>) src(%arg15 : memref<128x128xf32, #tpu.memory_space<vmem>>) dst(%dma_wait3A_58 : memref<128x128xf32, #tpu.memory_space<hbm>>)
      tpu.yield
    }) : () -> ()
    %mul3A_49 = arith.constant 128 : i32
    %mul3A_50 = arith.muli %add3A, %mul3A_49 : i32
    "tpu.region"() ({
      %run_scoped3A = tpu.sem_alloc : memref<!tpu.dma_semaphore, #tpu.memory_space<semaphore_mem>>
      %dma_start3A_51 = arith.constant 0 : i32
      %dma_start3A_52 = tpu.memref_slice %arg9[%mul3A_50, %dma_start3A_51] : memref<4096x128xf32, #tpu.memory_space<hbm>> -> memref<128x128xf32, #tpu.memory_space<hbm>>
      %dma_start3A_53 = arith.constant 0 : i32
      %dma_start3A_54 = tpu.memref_slice %arg9[%mul3A_50, %dma_start3A_53] : memref<4096x128xf32, #tpu.memory_space<hbm>> -> memref<128x128xf32, #tpu.memory_space<hbm>>
      tpu.enqueue_dma source(%arg16 : memref<128x128xf32, #tpu.memory_space<vmem>>) target(%dma_start3A_54 : memref<128x128xf32, #tpu.memory_space<hbm>>) target_semaphore(%run_scoped3A : memref<!tpu.dma_semaphore, #tpu.memory_space<semaphore_mem>>)
      %dma_wait3A_55 = arith.constant 0 : i32
      %dma_wait3A_56 = tpu.memref_slice %arg9[%mul3A_50, %dma_wait3A_55] : memref<4096x128xf32, #tpu.memory_space<hbm>> -> memref<128x128xf32, #tpu.memory_space<hbm>>
      %dma_wait3A_57 = arith.constant 0 : i32
      %dma_wait3A_58 = tpu.memref_slice %arg9[%mul3A_50, %dma_wait3A_57] : memref<4096x128xf32, #tpu.memory_space<hbm>> -> memref<128x128xf32, #tpu.memory_space<hbm>>
      tpu.wait_dma2 semaphore(%run_scoped3A : memref<!tpu.dma_semaphore, #tpu.memory_space<semaphore_mem>>) src(%arg16 : memref<128x128xf32, #tpu.memory_space<vmem>>) dst(%dma_wait3A_58 : memref<128x128xf32, #tpu.memory_space<hbm>>)
      tpu.yield
    }) : () -> ()
    return
  }
}

module attributes {stable_mosaic.version = 14 : i64} {
  func.func @body(%arg0: i32, %arg1: memref<500x16x64xf32, #tpu.memory_space<vmem>>, %arg2: memref<4000x128xf32, #tpu.memory_space<vmem>>) attributes {dimension_semantics = [#tpu.dimension_semantics<arbitrary>], iteration_bounds = array<i64: 125>, scalar_prefetch = 0 : i64, scratch_operands = 0 : i64, tpu.core_type = #tpu.core_type<tc>, window_params = [{transform_indices = @transform_0, window_bounds = array<i64: 500, 16, 64>}, {transform_indices = @transform_1, window_bounds = array<i64: 4000, 128>}]} {
    %get3A = arith.constant 0 : index
    %get3A_0 = arith.constant 0 : index
    %get3A_1 = arith.constant 0 : index
    %get3A_2 = vector.load %arg1[%get3A, %get3A_0, %get3A_1] : memref<500x16x64xf32, #tpu.memory_space<vmem>>, vector<500x16x64xf32>
    %reshape3A = vector.shape_cast %get3A_2 : vector<500x16x64xf32> to vector<8000x64xf32>
    %slice3A = vector.extract_strided_slice %reshape3A {offsets = [0, 0], sizes = [4000, 64], strides = [1, 1]} : vector<8000x64xf32> to vector<4000x64xf32>
    %swap3A = arith.constant 0 : index
    %swap3A_3 = arith.constant 0 : index
    %swap3A_4 = vector.load %arg2[%swap3A, %swap3A_3] : memref<4000x128xf32, #tpu.memory_space<vmem>>, vector<4000x64xf32>
    tpu.vector_store %arg2[%swap3A, %swap3A_3], %slice3A {strides = array<i32>} : memref<4000x128xf32, #tpu.memory_space<vmem>>, vector<4000x64xf32>,
    %slice3A_5 = vector.extract_strided_slice %reshape3A {offsets = [4000, 0], sizes = [4000, 64], strides = [1, 1]} : vector<8000x64xf32> to vector<4000x64xf32>
    %swap3A_6 = arith.constant 0 : index
    %swap3A_7 = arith.constant 64 : index
    %swap3A_8 = vector.load %arg2[%swap3A_6, %swap3A_7] : memref<4000x128xf32, #tpu.memory_space<vmem>>, vector<4000x64xf32>
    tpu.vector_store %arg2[%swap3A_6, %swap3A_7], %slice3A_5 {strides = array<i32>} : memref<4000x128xf32, #tpu.memory_space<vmem>>, vector<4000x64xf32>,
    return
  }
  func.func @transform_0(%arg0: i32) -> (i32, i32, i32) {
    %c0_i32 = arith.constant 0 : i32
    %c0_i32_0 = arith.constant 0 : i32
    %c0_i32_1 = arith.constant 0 : i32
    return %arg0, %c0_i32, %c0_i32_0 : i32, i32, i32
  }
  func.func @transform_1(%arg0: i32) -> (i32, i32) {
    %c0_i32 = arith.constant 0 : i32
    %c0_i32_0 = arith.constant 0 : i32
    return %arg0, %c0_i32 : i32, i32
  }
}

module attributes {stable_mosaic.version = 14 : i64} {
  func.func @body(%arg0: i32, %arg1: memref<128x128xf32, #tpu.memory_space<vmem>>, %arg2: memref<128x128xf32, #tpu.memory_space<vmem>>, %arg3: memref<128x1xi32, #tpu.memory_space<vmem>>, %arg4: memref<128x1xi32, #tpu.memory_space<vmem>>, %arg5: memref<128x64xi32, #tpu.memory_space<vmem>>, %arg6: memref<128x64x128xf32, #tpu.memory_space<vmem>>, %arg7: memref<128x64xf32, #tpu.memory_space<vmem>>) attributes {dimension_semantics = [#tpu.dimension_semantics<arbitrary>], iteration_bounds = array<i64: 32>, scalar_prefetch = 0 : i64, scratch_operands = 0 : i64, tpu.core_type = #tpu.core_type<tc>, window_params = [{transform_indices = @transform_0, window_bounds = array<i64: 128, 128>}, {transform_indices = @transform_1, window_bounds = array<i64: 128, 128>}, {transform_indices = @transform_2, window_bounds = array<i64: 128, 1>}, {transform_indices = @transform_3, window_bounds = array<i64: 128, 1>}, {transform_indices = @transform_4, window_bounds = array<i64: 128, 64>}, {transform_indices = @transform_5, window_bounds = array<i64: 128, 64, 128>}, {transform_indices = @transform_6, window_bounds = array<i64: 128, 64>}]} {
    %get3A = arith.constant 0 : index
    %get3A_0 = arith.constant 0 : index
    %get3A_1 = vector.load %arg1[%get3A, %get3A_0] : memref<128x128xf32, #tpu.memory_space<vmem>>, vector<128x128xf32>
    %get3A_2 = arith.constant 0 : index
    %get3A_3 = arith.constant 0 : index
    %get3A_4 = vector.load %arg2[%get3A_2, %get3A_3] : memref<128x128xf32, #tpu.memory_space<vmem>>, vector<128x128xf32>
    %get3A_5 = arith.constant 0 : index
    %get3A_6 = arith.constant 0 : index
    %get3A_7 = vector.load %arg3[%get3A_5, %get3A_6] : memref<128x1xi32, #tpu.memory_space<vmem>>, vector<128x1xi32>
    %eq3A = arith.constant 1 : i32
    %eq3A_8 = vector.broadcast %eq3A : i32 to vector<128x1xi32>
    %eq3A_9 = arith.cmpi eq, %get3A_7, %eq3A_8 : vector<128x1xi32>
    %slice3A = vector.extract_strided_slice %get3A_1 {offsets = [0, 64], sizes = [128, 64], strides = [1, 1]} : vector<128x128xf32> to vector<128x64xf32>
    %slice3A_10 = vector.extract_strided_slice %get3A_1 {offsets = [0, 0], sizes = [128, 64], strides = [1, 1]} : vector<128x128xf32> to vector<128x64xf32>
    %broadcast_in_dim3A = vector.shape_cast %eq3A_9 : vector<128x1xi1> to vector<128x1xi1>
    %broadcast_in_dim3A_11 = vector.broadcast %broadcast_in_dim3A : vector<128x1xi1> to vector<128x64xi1>
    %select_n3A = arith.select %broadcast_in_dim3A_11, %slice3A, %slice3A_10 : vector<128x64xi1>, vector<128x64xf32>
    %get3A_12 = arith.constant 0 : index
    %get3A_13 = arith.constant 0 : index
    %get3A_14 = vector.load %arg4[%get3A_12, %get3A_13] : memref<128x1xi32, #tpu.memory_space<vmem>>, vector<128x1xi32>
    %eq3A_15 = arith.constant 1 : i32
    %eq3A_16 = vector.broadcast %eq3A_15 : i32 to vector<128x1xi32>
    %eq3A_17 = arith.cmpi eq, %get3A_14, %eq3A_16 : vector<128x1xi32>
    %slice3A_18 = vector.extract_strided_slice %get3A_4 {offsets = [0, 64], sizes = [128, 64], strides = [1, 1]} : vector<128x128xf32> to vector<128x64xf32>
    %slice3A_19 = vector.extract_strided_slice %get3A_4 {offsets = [0, 0], sizes = [128, 64], strides = [1, 1]} : vector<128x128xf32> to vector<128x64xf32>
    %broadcast_in_dim3A_20 = vector.shape_cast %eq3A_17 : vector<128x1xi1> to vector<128x1xi1>
    %broadcast_in_dim3A_21 = vector.broadcast %broadcast_in_dim3A_20 : vector<128x1xi1> to vector<128x64xi1>
    %select_n3A_22 = arith.select %broadcast_in_dim3A_21, %slice3A_18, %slice3A_19 : vector<128x64xi1>, vector<128x64xf32>
    %mul3A = arith.mulf %select_n3A, %select_n3A_22 : vector<128x64xf32>
    %concatenate3A = tpu.concatenate %mul3A, %mul3A in 1 : vector<128x64xf32>, vector<128x64xf32> -> vector<128x128xf32>
    %get3A_23 = arith.constant 0 : index
    %get3A_24 = arith.constant 0 : index
    %get3A_25 = arith.constant 0 : index
    %get3A_26 = vector.load %arg6[%get3A_23, %get3A_24, %get3A_25] : memref<128x64x128xf32, #tpu.memory_space<vmem>>, vector<128x64x128xf32>
    %broadcast_in_dim3A_27 = vector.shape_cast %concatenate3A : vector<128x128xf32> to vector<128x1x128xf32>
    %mul3A_28 = vector.broadcast %broadcast_in_dim3A_27 : vector<128x1x128xf32> to vector<128x64x128xf32>
    %mul3A_29 = arith.mulf %get3A_26, %mul3A_28 : vector<128x64x128xf32>
    %iota3A = tpu.iota {dimensions = array<i32: 2>} : vector<128x64x128xi32>
    %ge3A = arith.constant 64 : i32
    %ge3A_30 = vector.broadcast %ge3A : i32 to vector<128x64x128xi32>
    %ge3A_31 = arith.cmpi sge, %iota3A, %ge3A_30 : vector<128x64x128xi32>
    %get3A_32 = arith.constant 0 : index
    %get3A_33 = arith.constant 0 : index
    %get3A_34 = vector.load %arg5[%get3A_32, %get3A_33] : memref<128x64xi32, #tpu.memory_space<vmem>>, vector<128x64xi32>
    %broadcast_in_dim3A_35 = vector.shape_cast %get3A_34 : vector<128x64xi32> to vector<128x64x1xi32>
    %eq3A_36 = arith.constant 1 : i32
    %eq3A_37 = vector.broadcast %eq3A_36 : i32 to vector<128x64x1xi32>
    %eq3A_38 = arith.cmpi eq, %broadcast_in_dim3A_35, %eq3A_37 : vector<128x64x1xi32>
    %eq3A_39 = vector.broadcast %eq3A_38 : vector<128x64x1xi1> to vector<128x64x128xi1>
    %eq3A_40 = vector.broadcast %eq3A_39 : vector<128x64x128xi1> to vector<128x64x128xi1>
    %eq3A_41 = arith.xori %ge3A_31, %eq3A_40 : vector<128x64x128xi1>
    %eq3A_42 = arith.constant dense<true> : vector<128x64x128xi1>
    %eq3A_43 = arith.xori %eq3A_41, %eq3A_42 : vector<128x64x128xi1>
    %jit3A = arith.constant 0.000000e+00 : f32
    %broadcast_in_dim3A_44 = vector.broadcast %jit3A : f32 to vector<128x64x128xf32>
    %select_n3A_45 = arith.select %eq3A_43, %mul3A_29, %broadcast_in_dim3A_44 : vector<128x64x128xi1>, vector<128x64x128xf32>
    %reduce_sum3A = arith.constant dense<0.000000e+00> : vector<128x64xf32>
    %reduce_sum3A_46 = vector.multi_reduction <add>, %select_n3A_45, %reduce_sum3A [2] : vector<128x64x128xf32> to vector<128x64xf32>
    %swap3A = arith.constant 0 : index
    %swap3A_47 = arith.constant 0 : index
    %swap3A_48 = vector.load %arg7[%swap3A, %swap3A_47] : memref<128x64xf32, #tpu.memory_space<vmem>>, vector<128x64xf32>
    tpu.vector_store %arg7[%swap3A, %swap3A_47], %reduce_sum3A_46 {strides = array<i32>} : memref<128x64xf32, #tpu.memory_space<vmem>>, vector<128x64xf32>,
    return
  }
  func.func @transform_0(%arg0: i32) -> (i32, i32) {
    %c0_i32 = arith.constant 0 : i32
    %c0_i32_0 = arith.constant 0 : i32
    return %arg0, %c0_i32 : i32, i32
  }
  func.func @transform_1(%arg0: i32) -> (i32, i32) {
    %c0_i32 = arith.constant 0 : i32
    %c0_i32_0 = arith.constant 0 : i32
    return %arg0, %c0_i32 : i32, i32
  }
  func.func @transform_2(%arg0: i32) -> (i32, i32) {
    %c0_i32 = arith.constant 0 : i32
    %c0_i32_0 = arith.constant 0 : i32
    return %arg0, %c0_i32 : i32, i32
  }
  func.func @transform_3(%arg0: i32) -> (i32, i32) {
    %c0_i32 = arith.constant 0 : i32
    %c0_i32_0 = arith.constant 0 : i32
    return %arg0, %c0_i32 : i32, i32
  }
  func.func @transform_4(%arg0: i32) -> (i32, i32) {
    %c0_i32 = arith.constant 0 : i32
    %c0_i32_0 = arith.constant 0 : i32
    return %arg0, %c0_i32 : i32, i32
  }
  func.func @transform_5(%arg0: i32) -> (i32, i32, i32) {
    %c0_i32 = arith.constant 0 : i32
    %c0_i32_0 = arith.constant 0 : i32
    %c0_i32_1 = arith.constant 0 : i32
    return %arg0, %c0_i32, %c0_i32_0 : i32, i32, i32
  }
  func.func @transform_6(%arg0: i32) -> (i32, i32) {
    %c0_i32 = arith.constant 0 : i32
    %c0_i32_0 = arith.constant 0 : i32
    return %arg0, %c0_i32 : i32, i32
  }
}

</mosaic_0001>

<sc_bundles>
// kernel: kernel.5.cloned.1.call-start
scs
__scs_entry_jumppad:
0x0: {  	(pc) =	sbr.rel $0x88, $3  }
0x1: {  	(tag) =	ssettag $0x0;
	lr =	simm.s32 $0x1  }
0x2: {  	[smem:$0x3F9C] =	sst lr;
	_ =	strace $0xD0000000  }
0x3: {  	_ = 	snop  }
0x4: {  	_ = 	snop  }
0x5: {  	_ = 	snop  }
0x6: {  	_ = 	snop  }
0x7: {  	_ = 	snop  }
__scs_overlays_trampoline_lowered:
0x8: {  	[smem:$0x3FAB] =	sst s0  }
0x9: {  	[smem:$0x3FAC] =	sst s1  }
0xa: {  	[smem:$0x3FAD] =	sst s2  }
0xb: {  	[smem:$0x3FAE] =	sst s3  }
0xc: {  	[smem:$0x3FAF] =	sst s4  }
0xd: {  	[smem:$0x3FB0] =	sst s5  }
0xe: {  	[smem:$0x3FB1] =	sst s6  }
0xf: {  	[smem:$0x3FB2] =	sst s7  }
0x10: {  	[smem:$0x3FB3] =	sst s8  }
0x11: {  	[smem:$0x3FB4] =	sst s9;
	s0 =	simm.s32 @!p0 $0x0  }
0x12: {  	s1 =	sld [smem:$0x3F9A];
	s0 =	simm.s32 @p0 $0x1  }
0x13: {  	[smem:$0x3FB5] =	sst s0;
	s0 =	simm.s32 @!p1 $0x0  }
0x14: {  	s2 =	sld [smem:$0x3F99];
	s0 =	simm.s32 @p1 $0x1  }
0x15: {  	[smem:$0x3FB6] =	sst s0;
	s0 =	simm.s32 @!p2 $0x0  }
0x16: {  	s3 =	sld [smem:$0x3FDB];
	s0 =	simm.s32 @p2 $0x1  }
0x17: {  	s4 =	simm.s32 $0x1BF5;
	[smem:$0x3FB8] =	sst s0  }
0x18: {  	s0 =	sld [smem:$0x3F9B];
	_ =	swait.ge [sflag:s4], $0x0  }
0x19: {  	s7 =	sld [smem:$0x3F9C]  }
0x1a: {  	s8 =	sadd.s32 $0xFFFFE003, lr  }
0x1b: {  	s9 =	sadd.s32 $0xFFFFFEF7, lr;
	s5 =	simm.s32 $0xFFFFFFFF;
	p2 =	slt.u32 s8, $0xFFFFF086  }
0x1c: {  	p1 =	slt.u32 s9, $0xF7A;
	s5 =	simm.s32 @!p2 $0x0  }
0x1d: {  	s5 =	simm.s32 @p1 $0x1;
	p0 =	seq.s32 s7, s2  }
0x1e: {  	s7 =	smul.u32 @!p0 $0xF7A, s2;
	p2 =	seq.s32 @!p0 s5, $0x0  }
0x1f: {  	s9 =	smul.u32 $0xF7A, s1;
	s8 =	simm.s32 @!p0 $0x1BF5;
	p2 =	por !p2, p0  }
0x20: {  	[sflag:s8] =	ssyncset.s32 @!p0 $0xFFFFF086;
	s6 =	sadd.s32 @!p0 s3, s7;
	s7 =	simm.s32 @!p0 $0x108  }
0x21: {  	s3 =	sadd.s32 s3, s9;
	s6 =	sadd.s32 @!p0 $0x88, s6;
	s7 =	simm.s32 @p2 $0x1082  }
0x22: {  	[simem:s7], [sflag:s8] =	dma.local @!p0 [hbm:s6], $0xF7A  }
0x23: {  	s9 =	sor.u32 $0xD0000000, s2;
	s6 =	simm.s32 $0x108;
	_ =	swait.ge @!p0 [sflag:s8], $0x0  }
0x24: {  	s3 =	sadd.s32 $0x88, s3;
	s6 =	simm.s32 @!p1 $0x1082;
	[sflag:s4] =	ssyncset.s32 $0xFFFFF086  }
0x25: {  	[simem:s6], [sflag:s4] =	dma.local [hbm:s3], $0xF7A  }
0x26: {  	[smem:$0x3F9C] =	sst s1;
	(tag) =	ssettag s2;
	_ =	strace s9  }
0x27: {  	s1 =	sld [smem:$0x3FAC]  }
0x28: {  	s2 =	sld [smem:$0x3FAD]  }
0x29: {  	s4 =	sld [smem:$0x3FAF]  }
0x2a: {  	p0 =	seq.s32 s5, $0x0;
	s5 =	sld [smem:$0x3FB0]  }
0x2b: {  	s6 =	sld [smem:$0x3FB1]  }
0x2c: {  	s7 =	sld [smem:$0x3FB2]  }
0x2d: {  	s3 =	simm.s32 $0x108;
	s8 =	sld [smem:$0x3FB3]  }
0x2e: {  	s3 =	simm.s32 @!p0 $0x1082;
	s9 =	sld [smem:$0x3FB4]  }
0x2f: {  	lr =	sadd.s32 s0, s3;
	s0 =	sld [smem:$0x3FAB]  }
0x30: {  	s3 =	sld [smem:$0x3FAE]  }
0x31: {  	[smem:$0x3FB7] =	sst s10  }
0x32: {  	s10 =	sld [smem:$0x3FB5];
	_ =	sdelay $0x3  }
0x33: {  	p0 =	seq.s32 s10, $0x1;
	s10 =	sld [smem:$0x3FB7];
	_ =	sdelay $0x3  }
0x34: {  	[smem:$0x3FB7] =	sst s10  }
0x35: {  	s10 =	sld [smem:$0x3FB6];
	_ =	sdelay $0x3  }
0x36: {  	p1 =	seq.s32 s10, $0x1;
	s10 =	sld [smem:$0x3FB7];
	_ =	sdelay $0x3  }
0x37: {  	[smem:$0x3FB7] =	sst s10  }
0x38: {  	s10 =	sld [smem:$0x3FB8]  }
0x39: {  	_ = 	snop;
	(pc) =	sbr.ind lr, $3  }
0x3a: {  	_ = 	snop  }
0x3b: {  	_ = 	snop  }
0x3c: {  	p2 =	seq.s32 s10, $0x1;
	s10 =	sld [smem:$0x3FB7]  }
0x3d: {  	_ =	shalt  }
0x3e: {  	_ =	shalt  }
0x3f: {  	_ =	shalt  }
0x40: {  	_ =	shalt  }
0x41: {  	_ =	shalt  }
0x42: {  	_ =	shalt  }
0x43: {  	_ =	shalt  }
0x44: {  	_ =	shalt  }
0x45: {  	_ =	shalt  }
0x46: {  	_ =	shalt  }
0x47: {  	_ =	shalt  }
0x48: {  	_ =	shalt  }
0x49: {  	_ =	shalt  }
0x4a: {  	_ =	shalt  }
0x4b: {  	_ =	shalt  }
0x4c: {  	_ =	shalt  }
0x4d: {  	_ =	shalt  }
0x4e: {  	_ =	shalt  }
0x4f: {  	_ =	shalt  }
0x50: {  	_ =	shalt  }
0x51: {  	_ =	shalt  }
0x52: {  	_ =	shalt  }
0x53: {  	_ =	shalt  }
0x54: {  	_ =	shalt  }
0x55: {  	_ =	shalt  }
0x56: {  	_ =	shalt  }
0x57: {  	_ =	shalt  }
0x58: {  	_ =	shalt  }
0x59: {  	_ =	shalt  }
0x5a: {  	_ =	shalt  }
0x5b: {  	_ =	shalt  }
0x5c: {  	_ =	shalt  }
0x5d: {  	_ =	shalt  }
0x5e: {  	_ =	shalt  }
0x5f: {  	_ =	shalt  }
0x60: {  	_ =	shalt  }
0x61: {  	_ =	shalt  }
0x62: {  	_ =	shalt  }
0x63: {  	_ =	shalt  }
0x64: {  	_ =	shalt  }
0x65: {  	_ =	shalt  }
0x66: {  	_ =	shalt  }
0x67: {  	_ =	shalt  }
0x68: {  	_ =	shalt  }
0x69: {  	_ =	shalt  }
0x6a: {  	_ =	shalt  }
0x6b: {  	_ =	shalt  }
0x6c: {  	_ =	shalt  }
0x6d: {  	_ =	shalt  }
0x6e: {  	_ =	shalt  }
0x6f: {  	_ =	shalt  }
0x70: {  	_ =	shalt  }
0x71: {  	_ =	shalt  }
0x72: {  	_ =	shalt  }
0x73: {  	_ =	shalt  }
0x74: {  	_ =	shalt  }
0x75: {  	_ =	shalt  }
0x76: {  	_ =	shalt  }
0x77: {  	_ =	shalt  }
0x78: {  	_ =	shalt  }
0x79: {  	_ =	shalt  }
0x7a: {  	_ =	shalt  }
0x7b: {  	_ =	shalt  }
0x7c: {  	_ =	shalt  }
0x7d: {  	_ =	shalt  }
0x7e: {  	_ =	shalt  }
0x7f: {  	_ =	shalt  }
0x80: {  	_ =	shalt  }
0x81: {  	_ =	shalt  }
0x82: {  	_ =	shalt  }
0x83: {  	_ =	shalt  }
0x84: {  	_ =	shalt  }
0x85: {  	_ =	shalt  }
0x86: {  	_ =	shalt  }
0x87: {  	_ =	shalt  }
.Lfunc_end0:
.L_simem_size_0:
called_computation_lowered:
.L_overlay_start_0:
0x88: {  	s2 =	sld [smem:$0x3FD9]  }
0x89: {  	s3 =	sld [smem:$0x3FFE];
	_ =	sdelay $0x1  }
0x8a: {  	s1 =	srdreg.scid  }
0x8b: {  	s0 =	sand.u32 $0x1, s1  }
0x8c: {  	s17 =	sshll.u32 s0, $0xA;
	s2 =	sadd.s32 s3, s2  }
0x8d: {  	s2 =	sadd.s32 s2, s17  }
0x8e: {  	[smem:$0x3FC3] =	sst s2  }
0x8f: {  	_ = 	snop  }
0x90: {  	s2 =	sld [smem:$0x3FD0];
	(tm) =	ssettm $0x1  }
0x91: {  	s18 =	sld [smem:$0x3FFB];
	_ =	sdelay $0x3  }
0x92: {  	_ =	strace s18  }
0x93: {  	s3 =	sld [smem:$0x3FFC];
	_ =	sdelay $0x3  }
0x94: {  	_ =	strace s3  }
0x95: {  	s3 =	sld [smem:$0x3FFD];
	_ =	sdelay $0x3  }
0x96: {  	_ =	strace s3  }
0x97: {  	_ =	strace $0x8FFFFFFF  }
0x98: {  	s19 =	sld [smem:$0x3FDB];
	_ =	sdelay $0x1  }
0x99: {  	s4 =	simm.s32 $_scs_section_size  }
0x9a: {  	s5 =	simm.s32 $_size__tile_overlayer_lowered;
	s6 =	simm.s32 $_tile_overlayer_lowered  }
0x9b: {  	s22 =	simm.s32 $0x1BFF;
	s21 =	sshll.u32 s6, $0x1;
	s3 =	sadd.s32 s4, s19  }
0x9c: {  	s7 =	simm.s32 $0x0;
	s20 =	sshll.u32 s5, $0x1;
	s5 =	sadd.s32 s21, s3  }
0x9d: {  	[timem:s7], [sflag:s22] =	dma.local [hbm:s5], s20  }
0x9e: {  	_ =	swait.ge [sflag:s22], s20  }
0x9f: {  	s4 =	ssub.s32 $0x0, s20;
	[sflag:s22] =	ssyncset.done $0x0  }
0xa0: {  	[sflag:s22] =	ssyncadd.s32 s4;
	_ =	sdelay $0x1  }
0xa1: {  	s23 =	simm.s32 $0x1B8B  }
0xa2: {  	_ =	swait.ge [sflag:s23], $0x1  }
0xa3: {  	[sflag:s23] =	ssyncset.done $0x0  }
0xa4: {  	s25 =	simm.s32 $0x1B8E;
	s24 =	sld [smem:$0x3FFE];
	[sflag:s23] =	ssyncadd.s32 $0xFFFFFFFF  }
0xa5: {  	s26 =	simm.s32 $execute0_lowered;
	[smem:$0x3FD2] =	sst s25  }
0xa6: {  	s5 =	sshll.u32 s26, $0x1;
	_ =	strace $0x80000046;
	[dreg:$0x1] =	wrdreg $0xFFFFFFFF  }
0xa7: {  	s28 =	simm.s32 $_size_execute0_lowered;
	s3 =	sadd.s32 s3, s5;
	[dreg:$0x0] =	wrdreg $0x0  }
0xa8: {  	s5 =	sshll.u32 s28, $0x1;
	[dreg:$0x2] =	wrdreg s3  }
0xa9: {  	[dreg:$0x3] =	wrdreg s5  }
0xaa: {  	[dreg:$0x4] =	wrdreg $0xC0  }
0xab: {  	_ =	task [dreg:s7], $0x5FFFF  }
0xac: {  	[dreg:$0x1] =	wrdreg $0xFFFFFFFF  }
0xad: {  	[dreg:$0x0] =	wrdreg $0x60  }
0xae: {  	[dreg:$0x2] =	wrdreg s2  }
0xaf: {  	[dreg:$0x3] =	wrdreg s24  }
0xb0: {  	[dreg:$0x4] =	wrdreg $0x9  }
0xb1: {  	_ =	task.clear_ibuf [dreg:s7], $0x5FFFF;
	_ =	strace $0x90000046  }
0xb2: {  	s29 =	simm.s32 $0x9;
	_ =	strace $0x80000048  }
0xb3: {  	_ =	swait.ge [sflag:s29], $0x1  }
0xb4: {  	[sflag:s29] =	ssyncadd.s32 $0xFFFFFFFF  }
0xb5: {  	_ =	strace $0x90000048  }
0xb6: {  	_ =	sfence  }
0xb7: {  	s30 =	sld [smem:$0x0];
	_ =	sdelay $0x2  }
0xb8: {  	s31 =	sshll.u32 s1, $0xD;
	s1 =	sshrl.u32 s1, $0x2  }
0xb9: {  	s3 =	sand.u32 $0x4000, s31;
	s1 =	sadd.s32 s1, s30  }
0xba: {  	s0 =	sor.u32 s3, s0;
	s1 =	sshll.u32 s1, $0x11  }
0xbb: {  	s0 =	sor.u32 s1, s0  }
0xbc: {  	s0 =	sadd.s32 $0x8F2B, s0  }
0xbd: {  	[sflag:s0] =	ssyncadd.remote.s32 $0x1  }
0xbe: {  	_ =	sfence.sel $0xFFFF  }
0xbf: {  	[dreg:$0x0] =	wrdreg $0xFFFFFFFF;
	(pc) =	sbr.abs _section_cstart, $3  }
0xc0: {  	[dreg:$0x1] =	wrdreg $0xFFFFFFFF  }
0xc1: {  	_ =	task.clear_ibuf [dreg:s7], $0x2FFFF;
	_ =	strace $0x9FFFFFFF  }
0xc2: {  	(tm) =	ssettm $0x7FFFFFFF  }
0xc3: {  	_ =	shalt  }
tec
execute0_lowered:
.L_overlay_start_1:
0x0: {  	(tag) =	ssettag $0x1  }
0x1: {  	s0 =	rddreg [dreg:$0x0];
	s1 =	srdreg.scid  }
0x2: {  	s4 =	stileid.u32;
	s5 =	rddreg [dreg:$0x1];
	s2 =	simm.s32 $0x0  }
0x3: {  	s14 =	simm.s32 $0x2000;
	s15 =	simm.s32 $0x6;
	s16 =	simm.s32 $0x2080  }
0x4: {  	s17 =	simm.s32 $0x80;
	s18 =	simm.s32 $0x12100;
	s19 =	simm.s32 $0x16100  }
0x5: {  	s20 =	simm.s32 $0x2100;
	s21 =	simm.s32 $0x6100;
	s23 =	simm.s32 $0xA100  }
0x6: {  	s28 =	simm.s32 $0x2;
	s29 =	simm.s32 $0x3;
	s22 =	simm.s32 $0x0  }
0x7: {  	s1 =	sand.u32 $0x1, s1;
	s3 =	sshll.u32 s4, $0x1;
	[smem:$0x7FF] =	sst s2  }
0x8: {  	s7 =	sadd.s32 $0x51600, s5;
	s11 =	sadd.s32 $0x53800, s5;
	s31 =	sshll.u32 s4, $0x12  }
0x9: {  	s8 =	sor.u32 s1, s3;
	_ =	strace $0x80000047;
	[dreg:$0x3] =	wrdreg s7  }
0xa: {  	s9 =	ssub.s32 $0x2, s1;
	s1 =	sshll.u32 s1, $0x11;
	s3 =	sshll.u32 s8, $0x4  }
0xb: {  	s24 =	sshll.u32 s8, $0xB;
	s25 =	sshrl.u32 s9, $0x1;
	s26 =	sshll.u32 s8, $0xA  }
0xc: {  	s30 =	sshll.u32 s8, $0x11;
	s6 =	sadd.s32 s3, s5;
	s3 =	sadd.s32 $0xF93A00, s5  }
0xd: {  	s10 =	sadd.s32 s24, s5;
	s12 =	ssub.s32 s9, s25;
	s7 =	sadd.s32 s0, s26  }
.Ltmp0:
0xe: {  	s8 =	sadd.s32 s11, s30;
	s0 =	sadd.s32 s31, s11;
	(pc) =	sbr.rel .LBB2_1-.Ltmp0, $4  }
0xf: {  	s25 =	simm.s32 $0xE100;
	s26 =	simm.s32 $0x1;
	s5 =	sadd.s32 $0x53600, s6  }
0x10: {  	s6 =	sadd.s32 $0x41400, s6;
	s9 =	sadd.s32 $0x11400, s10;
	s10 =	sadd.s32 $0x21400, s10  }
0x11: {  	s11 =	smax.u32 s12, $0x1;
	s12 =	sadd.s32 $0x1000, s8;
	s0 =	sadd.s32 s1, s0  }
0x12: {  	s1 =	simm.s32 $0x4;
	s24 =	sadd.s32 $0x2000, s0;
	s0 =	simm.s32 $0x5  }
.LBB2_4:
0x13: {  	_ =	swait.ge [sflag:s1], $0x8000  }
0x14: {  	[sflag:s1] =	ssyncset.done $0x0  }
0x15: {  	[sflag:s1] =	ssyncadd.s32 $0xFFFF8000  }
0x16: {  	_ =	swait.ge [sflag:s0], $0x4000  }
0x17: {  	[sflag:s0] =	ssyncset.done $0x0  }
0x18: {  	[sflag:s0] =	ssyncadd.s32 $0xFFFFC000  }
0x19: {  	_ =	swait.ge [sflag:s0], $0x4000  }
0x1a: {  	[sflag:s0] =	ssyncset.done $0x0  }
0x1b: {  	[sflag:s0] =	ssyncadd.s32 $0xFFFFC000  }
0x1c: {  	[hbm4b:s9+s2] =	stream.linear.scatter [tilespmem:s18], [sflag:$0x6], $0x4000, $0x38;
	[tilespmem:$0x1A100] =	vst v63  }
0x1d: {  	s22 =	sadd.s32 $0x1, s22;
	_ =	swait.ge [sflag:s15], $0x4000  }
0x1e: {  	p0 =	sne.s32 s22, s11;
	[sflag:s15] =	ssyncset.done $0x0  }
.Ltmp1:
0x1f: {  	[sflag:s15] =	ssyncadd.s32 $0xFFFFC000;
	(pc) =	sbr.rel @!p0 .LBB2_5-.Ltmp1, $4  }
0x20: {  	[hbm4b:s10+s2] =	stream.linear.scatter [tilespmem:s19], [sflag:$0x6], $0x4000, $0x38;
	[tilespmem:$0x1A100] =	vst v63  }
0x21: {  	_ =	swait.ge [sflag:s15], $0x4000  }
0x22: {  	[sflag:s15] =	ssyncset.done $0x0  }
0x23: {  	[sflag:s15] =	ssyncadd.s32 $0xFFFFC000  }
.LBB2_1:
0x24: {  	[tilespmem:s14], [sflag:$0x6] =	stream.linear.gather [hbm4b:s5+s2], $0x80, $0x38;
	[tilespmem:$0x1A100] =	vst v63  }
0x25: {  	_ =	swait.ge [sflag:s15], $0x80  }
0x26: {  	[sflag:s15] =	ssyncset.done $0x0  }
0x27: {  	[sflag:s15] =	ssyncadd.s32 $0xFFFFFF80  }
0x28: {  	[tilespmem:s16], [sflag:$0x6] =	stream.linear.gather [hbm4b:s6+s2], $0x80, $0x38;
	[tilespmem:$0x1A100] =	vst v63  }
0x29: {  	_ =	swait.ge [sflag:s15], $0x80  }
0x2a: {  	[sflag:s15] =	ssyncset.done $0x0  }
0x2b: {  	[sflag:s15] =	ssyncadd.s32 $0xFFFFFF80  }
0x2c: {  	[tilespmem:s2], [sflag:$0x6] =	stream.linear.gather [hbm4b:s7+s2], $0x2000, $0x38;
	[tilespmem:$0x1A100] =	vst v63  }
0x2d: {  	_ =	swait.ge [sflag:s15], $0x2000  }
0x2e: {  	[sflag:s15] =	ssyncset.done $0x0  }
0x2f: {  	[sflag:s15] =	ssyncadd.s32 $0xFFFFE000  }
0x30: {  	[tilespmem:s18], [sflag:$0x5] =	stream.indirect.gather [hbm4b:s3+s17], $0x80, s14, s17, $0xb8;
	[tilespmem:$0x1A100] =	vst v63  }
0x31: {  	s4 =	rddreg [dreg:$0x3]  }
0x32: {  	[tilespmem:s19], [sflag:$0x5] =	stream.indirect.gather [hbm4b:s4+s17], $0x80, s16, s17, $0xb8;
	[tilespmem:$0x1A100] =	vst v63  }
0x33: {  	_ = 	snop  }
0x34: {  	[tilespmem:s20], [sflag:$0x1] =	stream.indirect.gather [hbm4b:s3+s17], $0x80, s2, s17, $0xb8;
	[tilespmem:$0x1A100] =	vst v63  }
0x35: {  	_ = 	snop  }
0x36: {  	[tilespmem:s21], [sflag:$0x1] =	stream.indirect.gather [hbm4b:s3+s17], $0x80, s17, s17, $0xb8;
	[tilespmem:$0x1A100] =	vst v63  }
0x37: {  	s13 =	simm.s32 $0x100  }
0x38: {  	[tilespmem:s23], [sflag:$0x2] =	stream.indirect.gather [hbm4b:s3+s17], $0x80, s13, s17, $0xb8;
	[tilespmem:$0x1A100] =	vst v63  }
0x39: {  	s31 =	simm.s32 $0x180  }
0x3a: {  	[tilespmem:s25], [sflag:$0x2] =	stream.indirect.gather [hbm4b:s3+s17], $0x80, s31, s17, $0xb8;
	[tilespmem:$0x1A100] =	vst v63  }
0x3b: {  	_ =	swait.ge [sflag:s26], $0x4000  }
0x3c: {  	[sflag:s26] =	ssyncset.done $0x0  }
0x3d: {  	[sflag:s26] =	ssyncadd.s32 $0xFFFFC000  }
0x3e: {  	_ =	swait.ge [sflag:s26], $0x4000  }
0x3f: {  	[sflag:s26] =	ssyncset.done $0x0  }
0x40: {  	[sflag:s26] =	ssyncadd.s32 $0xFFFFC000  }
0x41: {  	[hbm4b:s8+s2] =	stream.linear.scatter [tilespmem:s20], [sflag:$0x3], $0x8000, $0x38;
	[tilespmem:$0x1A100] =	vst v63  }
0x42: {  	_ =	swait.ge [sflag:s28], $0x4000  }
0x43: {  	[sflag:s28] =	ssyncset.done $0x0  }
0x44: {  	[sflag:s28] =	ssyncadd.s32 $0xFFFFC000  }
0x45: {  	_ =	swait.ge [sflag:s28], $0x4000  }
0x46: {  	[sflag:s28] =	ssyncset.done $0x0  }
0x47: {  	[sflag:s28] =	ssyncadd.s32 $0xFFFFC000  }
0x48: {  	[hbm4b:s12+s2] =	stream.linear.scatter [tilespmem:s23], [sflag:$0x4], $0x8000, $0x38;
	[tilespmem:$0x1A100] =	vst v63  }
0x49: {  	_ =	swait.ge [sflag:s29], $0x8000  }
0x4a: {  	[sflag:s29] =	ssyncset.done $0x0  }
0x4b: {  	s13 =	simm.s32 $0x200;
	[sflag:s29] =	ssyncadd.s32 $0xFFFF8000  }
0x4c: {  	[tilespmem:s20], [sflag:$0x1] =	stream.indirect.gather [hbm4b:s3+s17], $0x80, s13, s17, $0xb8;
	[tilespmem:$0x1A100] =	vst v63  }
0x4d: {  	s30 =	simm.s32 $0x0;
	s31 =	simm.s32 $0x280;
	s13 =	smov.u32 s24  }
0x4e: {  	[tilespmem:s21], [sflag:$0x1] =	stream.indirect.gather [hbm4b:s3+s17], $0x80, s31, s17, $0xb8;
	[tilespmem:$0x1A100] =	vst v63  }
.LBB2_2:
0x4f: {  	_ =	swait.ge [sflag:s1], $0x8000  }
0x50: {  	s31 =	sshra.s32 s30, $0x2;
	[sflag:s1] =	ssyncset.done $0x0  }
0x51: {  	s4 =	sadd.s32 $0x300, s31;
	[sflag:s1] =	ssyncadd.s32 $0xFFFF8000  }
0x52: {  	[tilespmem:s23], [sflag:$0x2] =	stream.indirect.gather [hbm4b:s3+s17], $0x80, s4, s17, $0xb8;
	[tilespmem:$0x1A100] =	vst v63  }
0x53: {  	s4 =	sadd.s32 $0x380, s31  }
0x54: {  	[tilespmem:s25], [sflag:$0x2] =	stream.indirect.gather [hbm4b:s3+s17], $0x80, s4, s17, $0xb8;
	[tilespmem:$0x1A100] =	vst v63  }
0x55: {  	_ =	swait.ge [sflag:s26], $0x4000  }
0x56: {  	[sflag:s26] =	ssyncset.done $0x0  }
0x57: {  	[sflag:s26] =	ssyncadd.s32 $0xFFFFC000  }
0x58: {  	_ =	swait.ge [sflag:s26], $0x4000  }
0x59: {  	[sflag:s26] =	ssyncset.done $0x0  }
0x5a: {  	[sflag:s26] =	ssyncadd.s32 $0xFFFFC000  }
0x5b: {  	[hbm4b:s13+s2] =	stream.linear.scatter [tilespmem:s20], [sflag:$0x3], $0x8000, $0x38;
	[tilespmem:$0x1A100] =	vst v63  }
0x5c: {  	_ =	swait.ge [sflag:s28], $0x4000  }
0x5d: {  	[sflag:s28] =	ssyncset.done $0x0  }
0x5e: {  	[sflag:s28] =	ssyncadd.s32 $0xFFFFC000  }
0x5f: {  	_ =	swait.ge [sflag:s28], $0x4000  }
0x60: {  	p0 =	seq.s32 s30, $0x7000;
	[sflag:s28] =	ssyncset.done $0x0  }
.Ltmp2:
0x61: {  	s4 =	sadd.s32 $0x1000, s13;
	[sflag:s28] =	ssyncadd.s32 $0xFFFFC000;
	(pc) =	sbr.rel @p0 .LBB2_4-.Ltmp2, $4  }
0x62: {  	[hbm4b:s4+s2] =	stream.linear.scatter [tilespmem:s23], [sflag:$0x4], $0x8000, $0x38;
	[tilespmem:$0x1A100] =	vst v63  }
0x63: {  	_ =	swait.ge [sflag:s29], $0x8000  }
0x64: {  	[sflag:s29] =	ssyncset.done $0x0  }
0x65: {  	[sflag:s29] =	ssyncadd.s32 $0xFFFF8000  }
.Ltmp3:
0x66: {  	(pc) =	sbr.rel .LBB2_2-.Ltmp3, $4  }
0x67: {  	s4 =	sadd.s32 $0x400, s31  }
0x68: {  	[tilespmem:s20], [sflag:$0x1] =	stream.indirect.gather [hbm4b:s3+s17], $0x80, s4, s17, $0xb8;
	[tilespmem:$0x1A100] =	vst v63  }
0x69: {  	s31 =	sadd.s32 $0x480, s31;
	s30 =	sadd.s32 $0x800, s30;
	s13 =	sadd.s32 $0x2000, s13  }
0x6a: {  	[tilespmem:s21], [sflag:$0x1] =	stream.indirect.gather [hbm4b:s3+s17], $0x80, s31, s17, $0xb8;
	[tilespmem:$0x1A100] =	vst v63  }
.LBB2_5:
0x6b: {  	_ =	sfence.sel $0x180000  }
0x6c: {  	[bflag:$0x0] =	sbarrier.arrive $0xFFFF  }
0x6d: {  	_ =	strace $0x90000047  }
0x6e: {  	s0 =	stileid.u32;
	[bflag:$0x2] =	sbarrier.arrive $0xFFFF  }
0x6f: {  	p0 =	sne.s32 s0, $0x0;
	s0 =	rddreg [dreg:$0x2]  }
0x70: {  	s0 =	sadd.s32 @!p0 $0x100000, s0  }
0x71: {  	[sflag:s0] =	ssyncadd.tile.s32 @!p0 $0x1;
	_ =	shalt  }
.Lfunc_end2:
_tile_overlayer_lowered:
.L_overlay_start_2:
0x72: {  	(tag) =	ssettag $0x2  }
0x73: {  	s0 =	rddreg [dreg:$0x0];
	s2 =	stileid.u32  }
0x74: {  	s1 =	rddreg [dreg:$0x1];
	p0 =	sne.s32 s2, $0x0  }
0x75: {  	s3 =	rddreg [dreg:$0x2];
	[bflag:$0x3] =	sbarrier.arrive $0xFFFF;
	s2 =	simm.s32 @!p0 $0x1C06  }
0x76: {  	[timem:s3], [sflag:s2] =	dma.local @!p0 [hbm:s0], s1  }
0x77: {  	s0 =	simm.s32 @!p0 $0x6  }
0x78: {  	_ =	swait.ge @!p0 [sflag:s0], s1  }
0x79: {  	s1 =	ssub.s32 @!p0 $0x0, s1;
	[sflag:s0] =	ssyncset.done @!p0 $0x0  }
0x7a: {  	[sflag:s0] =	ssyncadd.s32 @!p0 s1  }
0x7b: {  	[bflag:$0x3] =	sbarrier.arrive $0xFFFF  }
0x7c: {  	_ =	shalt  }

</sc_bundles>
